<compile_context>
chip_gen: v7x
topology: tpu7x:2x2x1
jax: 0.10.2.dev20260603
libtpu: 0.0.44.dev20260713+nightly
codegen_flags: <defaults>
</compile_context>

<pallas_src>
import functools

import jax
import jax.numpy as jnp
from jax import lax
from jax.experimental import pallas as pl
from jax.experimental.pallas import tpu as pltpu
from jax.experimental.pallas import tpu_sc as plsc

QP = 64
D = 128
B = 16384
NC = 2
NS = 16
NW = NC * NS
BPW = B // NW
CHUNK = 128
NCH = BPW // CHUNK

_mesh = plsc.VectorSubcoreMesh(core_axis_name="c", subcore_axis_name="s")


@functools.partial(
    pl.kernel,
    mesh=_mesh,
    out_type=jax.ShapeDtypeStruct((NW, BPW, D), jnp.float32),
    scratch_types=[
        pltpu.VMEM((NCH, CHUNK), jnp.int32),
        pltpu.VMEM_SHARED((QP, D), jnp.float32),
        pltpu.VMEM((BPW, D), jnp.float32),
        pltpu.SemaphoreType.DMA,
        pltpu.SemaphoreType.DMA,
        pltpu.SemaphoreType.DMA,
    ],
)
def _sc_gather(idx_hbm, table_hbm, out_hbm, idx_v, table_s, rows_v, sem_t, sem_g, sem_w):
    sid = lax.axis_index("s")
    wid = sid * NC + lax.axis_index("c")

    icopy = pltpu.async_copy(idx_hbm.at[wid], idx_v, sem_g)

    @pl.when(sid == 0)
    def _stage_table():
        pltpu.async_copy(table_hbm, table_s, sem_t).wait()

    icopy.wait()
    plsc.subcore_barrier()

    gathers = [
        pltpu.async_copy(
            table_s.at[idx_v.at[j]],
            rows_v.at[pl.ds(j * CHUNK, CHUNK)],
            sem_g,
        )
        for j in range(NCH)
    ]
    writes = []
    for j in range(NCH):
        gathers[j].wait()
        writes.append(
            pltpu.async_copy(
                rows_v.at[pl.ds(j * CHUNK, CHUNK)],
                out_hbm.at[wid].at[pl.ds(j * CHUNK, CHUNK)],
                sem_w,
            )
        )
    for w in writes:
        w.wait()


def kernel(x, q_scale_enc):
    idx = x.astype(jnp.int32).reshape(NW, NCH, CHUNK)
    table = q_scale_enc.reshape(QP, D)
    out = _sc_gather(idx, table)
    return out.reshape(B, D, 1, 1)

# --- scband reference (transcript-rebuilt; emitter-appended) ---
"""Pipeline reference for scband-scale-enc-36034775613907 (READ-ONLY COPY).

The authoritative reference and input builder live on the scoring server;
editing this copy changes nothing except your own understanding.
"""

import jax, jax.numpy as jnp
import numpy as np

QP_NUM = 64

def setup_inputs(seed: int = 0) -> dict:
    key = jax.random.key(seed)
    k1, k2 = jax.random.split(key)
    x = jax.random.randint(k1, (16384,), 0, QP_NUM, dtype=jnp.int64)
    # learned parameter: q_scale_enc, initialized to ones as in the torch module
    q_scale_enc = jnp.ones((QP_NUM, 128, 1, 1), dtype=jnp.float32)
    # add slight variation so lookup results are distinguishable (keeps math faithful: it's a learned table)
    q_scale_enc = q_scale_enc + 0.01 * jax.random.normal(k2, (QP_NUM, 128, 1, 1), dtype=jnp.float32)
    return {"x": x, "q_scale_enc": q_scale_enc}

def reference(x, q_scale_enc):
    # Faithful intent of ScaleEnc.forward: per-QP scale lookup q_scale_enc[x]
    # (embedding gather over the qp axis). Output: [B, 128, 1, 1].
    return jnp.take(q_scale_enc, x, axis=0)

if __name__ == "__main__":
    import jax
    _d = setup_inputs()
    print(jax.jit(kernel)(*tuple(_d.values())))

</pallas_src>

<mosaic_0001>
#map = affine_map<(d0, d1) -> (0, 0, 0)>
#map1 = affine_map<(d0, d1) -> (0, 0)>
module attributes {stable_mosaic.version = 14 : i64} {
  func.func @_sc_gather(%arg0: i32, %arg1: i32, %arg2: memref<32x4x128xi32, #tpu.memory_space<hbm>>, %arg3: memref<64x128xf32, #tpu.memory_space<hbm>>, %arg4: memref<32x512x128xf32, #tpu.memory_space<hbm>>, %arg5: memref<4x128xi32, #tpu.memory_space<vmem>>, %arg6: memref<64x128xf32, #tpu.memory_space<vmem_shared>>, %arg7: memref<512x128xf32, #tpu.memory_space<vmem>>, %arg8: memref<!tpu.dma_semaphore, #tpu.memory_space<semaphore_mem>>, %arg9: memref<!tpu.dma_semaphore, #tpu.memory_space<semaphore_mem>>, %arg10: memref<!tpu.dma_semaphore, #tpu.memory_space<semaphore_mem>>) attributes {dimension_semantics = [#tpu.dimension_semantics<core_parallel>, #tpu.dimension_semantics<subcore_parallel>], iteration_bounds = array<i64: 2, 16>, scalar_prefetch = 0 : i64, scratch_operands = 6 : i64, tpu.core_type = #tpu.core_type<sc_vector_subcore>, window_params = [{transform_indices = #map}, {transform_indices = #map1}, {transform_indices = #map}]} {
    %mul3A = arith.constant 2 : i32
    %mul3A_0 = arith.muli %arg1, %mul3A : i32
    %add3A = arith.addi %mul3A_0, %arg0 : i32
    %dma_start3A = arith.constant 0 : i32
    %dma_start3A_1 = arith.constant 0 : i32
    %dma_start3A_2 = tpu.memref_slice %arg2[%add3A, %dma_start3A, %dma_start3A_1] : memref<32x4x128xi32, #tpu.memory_space<hbm>> -> memref<1x4x128xi32, #tpu.memory_space<hbm>>
    %dma_start3A_3 = tpu.memref_squeeze %dma_start3A_2 : memref<1x4x128xi32, #tpu.memory_space<hbm>> -> memref<4x128xi32, #tpu.memory_space<hbm>>
    %dma_start3A_4 = arith.constant 0 : i32
    %dma_start3A_5 = arith.constant 0 : i32
    %dma_start3A_6 = tpu.memref_slice %arg2[%add3A, %dma_start3A_4, %dma_start3A_5] : memref<32x4x128xi32, #tpu.memory_space<hbm>> -> memref<1x4x128xi32, #tpu.memory_space<hbm>>
    %dma_start3A_7 = tpu.memref_squeeze %dma_start3A_6 : memref<1x4x128xi32, #tpu.memory_space<hbm>> -> memref<4x128xi32, #tpu.memory_space<hbm>>
    tpu.enqueue_dma source(%dma_start3A_7 : memref<4x128xi32, #tpu.memory_space<hbm>>) target(%arg5 : memref<4x128xi32, #tpu.memory_space<vmem>>) target_semaphore(%arg9 : memref<!tpu.dma_semaphore, #tpu.memory_space<semaphore_mem>>)
    %eq3A = arith.constant 0 : i32
    %eq3A_8 = arith.cmpi eq, %arg1, %eq3A : i32
    %convert_element_type3A = arith.extui %eq3A_8 : i1 to i32
    %cond3A = arith.constant 0 : i32
    %cond3A_9 = arith.cmpi ne, %convert_element_type3A, %cond3A : i32
    scf.if %cond3A_9 {
      tpu.enqueue_dma source(%arg3 : memref<64x128xf32, #tpu.memory_space<hbm>>) target(%arg6 : memref<64x128xf32, #tpu.memory_space<vmem_shared>>) target_semaphore(%arg8 : memref<!tpu.dma_semaphore, #tpu.memory_space<semaphore_mem>>)
      tpu.wait_dma2 semaphore(%arg8 : memref<!tpu.dma_semaphore, #tpu.memory_space<semaphore_mem>>) src(%arg3 : memref<64x128xf32, #tpu.memory_space<hbm>>) dst(%arg6 : memref<64x128xf32, #tpu.memory_space<vmem_shared>>)
    } else {
    }
    %dma_wait3A = arith.constant 0 : i32
    %dma_wait3A_10 = arith.constant 0 : i32
    %dma_wait3A_11 = tpu.memref_slice %arg2[%add3A, %dma_wait3A, %dma_wait3A_10] : memref<32x4x128xi32, #tpu.memory_space<hbm>> -> memref<1x4x128xi32, #tpu.memory_space<hbm>>
    %dma_wait3A_12 = tpu.memref_squeeze %dma_wait3A_11 : memref<1x4x128xi32, #tpu.memory_space<hbm>> -> memref<4x128xi32, #tpu.memory_space<hbm>>
    %dma_wait3A_13 = arith.constant 0 : i32
    %dma_wait3A_14 = arith.constant 0 : i32
    %dma_wait3A_15 = tpu.memref_slice %arg2[%add3A, %dma_wait3A_13, %dma_wait3A_14] : memref<32x4x128xi32, #tpu.memory_space<hbm>> -> memref<1x4x128xi32, #tpu.memory_space<hbm>>
    %dma_wait3A_16 = tpu.memref_squeeze %dma_wait3A_15 : memref<1x4x128xi32, #tpu.memory_space<hbm>> -> memref<4x128xi32, #tpu.memory_space<hbm>>
    tpu.wait_dma2 semaphore(%arg9 : memref<!tpu.dma_semaphore, #tpu.memory_space<semaphore_mem>>) src(%dma_wait3A_16 : memref<4x128xi32, #tpu.memory_space<hbm>>) dst(%arg5 : memref<4x128xi32, #tpu.memory_space<vmem>>)
    %barrier3A = arith.constant 0 : index
    tpu.barrier barrier_id(%barrier3A)
    %dma_start3A_17 = arith.constant 0 : i32
    %dma_start3A_18 = arith.constant 0 : i32
    %dma_start3A_19 = arith.constant 0 : i32
    %dma_start3A_20 = tpu.memref_slice %arg7[%dma_start3A_18, %dma_start3A_19] : memref<512x128xf32, #tpu.memory_space<vmem>> -> memref<128x128xf32, #tpu.memory_space<vmem>>
    %dma_start3A_21 = arith.constant 0 : i32
    %dma_start3A_22 = tpu.memref_slice %arg5[%dma_start3A_17, %dma_start3A_21] : memref<4x128xi32, #tpu.memory_space<vmem>> -> memref<1x128xi32, #tpu.memory_space<vmem>>
    %dma_start3A_23 = tpu.memref_squeeze %dma_start3A_22 : memref<1x128xi32, #tpu.memory_space<vmem>> -> memref<128xi32, #tpu.memory_space<vmem>>
    %dma_start3A_24 = arith.constant 0 : i32
    %dma_start3A_25 = arith.constant 0 : i32
    %dma_start3A_26 = tpu.memref_slice %arg6[%dma_start3A_24, %dma_start3A_25] : memref<64x128xf32, #tpu.memory_space<vmem_shared>> -> memref<64x128xf32, #tpu.memory_space<vmem_shared>>
    tpu.enqueue_indirect_dma source(%dma_start3A_26 : memref<64x128xf32, #tpu.memory_space<vmem_shared>>) target(%dma_start3A_20 : memref<128x128xf32, #tpu.memory_space<vmem>>) offsets(%dma_start3A_23 : memref<128xi32, #tpu.memory_space<vmem>>) semaphore(%arg9 : memref<!tpu.dma_semaphore, #tpu.memory_space<semaphore_mem>>)
    %dma_start3A_27 = arith.constant 1 : i32
    %dma_start3A_28 = arith.constant 128 : i32
    %dma_start3A_29 = arith.constant 0 : i32
    %dma_start3A_30 = tpu.memref_slice %arg7[%dma_start3A_28, %dma_start3A_29] : memref<512x128xf32, #tpu.memory_space<vmem>> -> memref<128x128xf32, #tpu.memory_space<vmem>>
    %dma_start3A_31 = arith.constant 0 : i32
    %dma_start3A_32 = tpu.memref_slice %arg5[%dma_start3A_27, %dma_start3A_31] : memref<4x128xi32, #tpu.memory_space<vmem>> -> memref<1x128xi32, #tpu.memory_space<vmem>>
    %dma_start3A_33 = tpu.memref_squeeze %dma_start3A_32 : memref<1x128xi32, #tpu.memory_space<vmem>> -> memref<128xi32, #tpu.memory_space<vmem>>
    %dma_start3A_34 = arith.constant 0 : i32
    %dma_start3A_35 = arith.constant 0 : i32
    %dma_start3A_36 = tpu.memref_slice %arg6[%dma_start3A_34, %dma_start3A_35] : memref<64x128xf32, #tpu.memory_space<vmem_shared>> -> memref<64x128xf32, #tpu.memory_space<vmem_shared>>
    tpu.enqueue_indirect_dma source(%dma_start3A_36 : memref<64x128xf32, #tpu.memory_space<vmem_shared>>) target(%dma_start3A_30 : memref<128x128xf32, #tpu.memory_space<vmem>>) offsets(%dma_start3A_33 : memref<128xi32, #tpu.memory_space<vmem>>) semaphore(%arg9 : memref<!tpu.dma_semaphore, #tpu.memory_space<semaphore_mem>>)
    %dma_start3A_37 = arith.constant 2 : i32
    %dma_start3A_38 = arith.constant 256 : i32
    %dma_start3A_39 = arith.constant 0 : i32
    %dma_start3A_40 = tpu.memref_slice %arg7[%dma_start3A_38, %dma_start3A_39] : memref<512x128xf32, #tpu.memory_space<vmem>> -> memref<128x128xf32, #tpu.memory_space<vmem>>
    %dma_start3A_41 = arith.constant 0 : i32
    %dma_start3A_42 = tpu.memref_slice %arg5[%dma_start3A_37, %dma_start3A_41] : memref<4x128xi32, #tpu.memory_space<vmem>> -> memref<1x128xi32, #tpu.memory_space<vmem>>
    %dma_start3A_43 = tpu.memref_squeeze %dma_start3A_42 : memref<1x128xi32, #tpu.memory_space<vmem>> -> memref<128xi32, #tpu.memory_space<vmem>>
    %dma_start3A_44 = arith.constant 0 : i32
    %dma_start3A_45 = arith.constant 0 : i32
    %dma_start3A_46 = tpu.memref_slice %arg6[%dma_start3A_44, %dma_start3A_45] : memref<64x128xf32, #tpu.memory_space<vmem_shared>> -> memref<64x128xf32, #tpu.memory_space<vmem_shared>>
    tpu.enqueue_indirect_dma source(%dma_start3A_46 : memref<64x128xf32, #tpu.memory_space<vmem_shared>>) target(%dma_start3A_40 : memref<128x128xf32, #tpu.memory_space<vmem>>) offsets(%dma_start3A_43 : memref<128xi32, #tpu.memory_space<vmem>>) semaphore(%arg9 : memref<!tpu.dma_semaphore, #tpu.memory_space<semaphore_mem>>)
    %dma_start3A_47 = arith.constant 3 : i32
    %dma_start3A_48 = arith.constant 384 : i32
    %dma_start3A_49 = arith.constant 0 : i32
    %dma_start3A_50 = tpu.memref_slice %arg7[%dma_start3A_48, %dma_start3A_49] : memref<512x128xf32, #tpu.memory_space<vmem>> -> memref<128x128xf32, #tpu.memory_space<vmem>>
    %dma_start3A_51 = arith.constant 0 : i32
    %dma_start3A_52 = tpu.memref_slice %arg5[%dma_start3A_47, %dma_start3A_51] : memref<4x128xi32, #tpu.memory_space<vmem>> -> memref<1x128xi32, #tpu.memory_space<vmem>>
    %dma_start3A_53 = tpu.memref_squeeze %dma_start3A_52 : memref<1x128xi32, #tpu.memory_space<vmem>> -> memref<128xi32, #tpu.memory_space<vmem>>
    %dma_start3A_54 = arith.constant 0 : i32
    %dma_start3A_55 = arith.constant 0 : i32
    %dma_start3A_56 = tpu.memref_slice %arg6[%dma_start3A_54, %dma_start3A_55] : memref<64x128xf32, #tpu.memory_space<vmem_shared>> -> memref<64x128xf32, #tpu.memory_space<vmem_shared>>
    tpu.enqueue_indirect_dma source(%dma_start3A_56 : memref<64x128xf32, #tpu.memory_space<vmem_shared>>) target(%dma_start3A_50 : memref<128x128xf32, #tpu.memory_space<vmem>>) offsets(%dma_start3A_53 : memref<128xi32, #tpu.memory_space<vmem>>) semaphore(%arg9 : memref<!tpu.dma_semaphore, #tpu.memory_space<semaphore_mem>>)
    %dma_wait3A_57 = arith.constant 0 : i32
    %dma_wait3A_58 = arith.constant 0 : i32
    %dma_wait3A_59 = arith.constant 0 : i32
    %dma_wait3A_60 = tpu.memref_slice %arg7[%dma_wait3A_58, %dma_wait3A_59] : memref<512x128xf32, #tpu.memory_space<vmem>> -> memref<128x128xf32, #tpu.memory_space<vmem>>
    %dma_wait3A_61 = arith.constant 0 : i32
    %dma_wait3A_62 = tpu.memref_slice %arg5[%dma_wait3A_57, %dma_wait3A_61] : memref<4x128xi32, #tpu.memory_space<vmem>> -> memref<1x128xi32, #tpu.memory_space<vmem>>
    %dma_wait3A_63 = tpu.memref_squeeze %dma_wait3A_62 : memref<1x128xi32, #tpu.memory_space<vmem>> -> memref<128xi32, #tpu.memory_space<vmem>>
    %dma_wait3A_64 = arith.constant 0 : i32
    %dma_wait3A_65 = arith.constant 0 : i32
    %dma_wait3A_66 = tpu.memref_slice %arg6[%dma_wait3A_64, %dma_wait3A_65] : memref<64x128xf32, #tpu.memory_space<vmem_shared>> -> memref<64x128xf32, #tpu.memory_space<vmem_shared>>
    tpu.wait_indirect_dma semaphore(%arg9 : memref<!tpu.dma_semaphore, #tpu.memory_space<semaphore_mem>>) src(%dma_wait3A_66 : memref<64x128xf32, #tpu.memory_space<vmem_shared>>) dst(%dma_wait3A_60 : memref<128x128xf32, #tpu.memory_space<vmem>>)
    %dma_start3A_67 = arith.constant 0 : i32
    %dma_start3A_68 = arith.constant 0 : i32
    %dma_start3A_69 = tpu.memref_slice %arg7[%dma_start3A_67, %dma_start3A_68] : memref<512x128xf32, #tpu.memory_space<vmem>> -> memref<128x128xf32, #tpu.memory_space<vmem>>
    %dma_start3A_70 = arith.constant 0 : i32
    %dma_start3A_71 = arith.constant 0 : i32
    %dma_start3A_72 = tpu.memref_slice %arg4[%add3A, %dma_start3A_70, %dma_start3A_71] : memref<32x512x128xf32, #tpu.memory_space<hbm>> -> memref<1x512x128xf32, #tpu.memory_space<hbm>>
    %dma_start3A_73 = tpu.memref_squeeze %dma_start3A_72 : memref<1x512x128xf32, #tpu.memory_space<hbm>> -> memref<512x128xf32, #tpu.memory_space<hbm>>
    %dma_start3A_74 = arith.constant 0 : i32
    %dma_start3A_75 = arith.constant 0 : i32
    %dma_start3A_76 = tpu.memref_slice %dma_start3A_73[%dma_start3A_74, %dma_start3A_75] : memref<512x128xf32, #tpu.memory_space<hbm>> -> memref<128x128xf32, #tpu.memory_space<hbm>>
    %dma_start3A_77 = arith.constant 0 : i32
    %dma_start3A_78 = arith.constant 0 : i32
    %dma_start3A_79 = tpu.memref_slice %arg4[%add3A, %dma_start3A_77, %dma_start3A_78] : memref<32x512x128xf32, #tpu.memory_space<hbm>> -> memref<1x512x128xf32, #tpu.memory_space<hbm>>
    %dma_start3A_80 = tpu.memref_squeeze %dma_start3A_79 : memref<1x512x128xf32, #tpu.memory_space<hbm>> -> memref<512x128xf32, #tpu.memory_space<hbm>>
    %dma_start3A_81 = arith.constant 0 : i32
    %dma_start3A_82 = arith.constant 0 : i32
    %dma_start3A_83 = tpu.memref_slice %dma_start3A_80[%dma_start3A_81, %dma_start3A_82] : memref<512x128xf32, #tpu.memory_space<hbm>> -> memref<128x128xf32, #tpu.memory_space<hbm>>
    %dma_start3A_84 = arith.constant 0 : i32
    %dma_start3A_85 = arith.constant 0 : i32
    %dma_start3A_86 = tpu.memref_slice %arg7[%dma_start3A_84, %dma_start3A_85] : memref<512x128xf32, #tpu.memory_space<vmem>> -> memref<128x128xf32, #tpu.memory_space<vmem>>
    tpu.enqueue_dma source(%dma_start3A_86 : memref<128x128xf32, #tpu.memory_space<vmem>>) target(%dma_start3A_83 : memref<128x128xf32, #tpu.memory_space<hbm>>) target_semaphore(%arg10 : memref<!tpu.dma_semaphore, #tpu.memory_space<semaphore_mem>>)
    %dma_wait3A_87 = arith.constant 1 : i32
    %dma_wait3A_88 = arith.constant 128 : i32
    %dma_wait3A_89 = arith.constant 0 : i32
    %dma_wait3A_90 = tpu.memref_slice %arg7[%dma_wait3A_88, %dma_wait3A_89] : memref<512x128xf32, #tpu.memory_space<vmem>> -> memref<128x128xf32, #tpu.memory_space<vmem>>
    %dma_wait3A_91 = arith.constant 0 : i32
    %dma_wait3A_92 = tpu.memref_slice %arg5[%dma_wait3A_87, %dma_wait3A_91] : memref<4x128xi32, #tpu.memory_space<vmem>> -> memref<1x128xi32, #tpu.memory_space<vmem>>
    %dma_wait3A_93 = tpu.memref_squeeze %dma_wait3A_92 : memref<1x128xi32, #tpu.memory_space<vmem>> -> memref<128xi32, #tpu.memory_space<vmem>>
    %dma_wait3A_94 = arith.constant 0 : i32
    %dma_wait3A_95 = arith.constant 0 : i32
    %dma_wait3A_96 = tpu.memref_slice %arg6[%dma_wait3A_94, %dma_wait3A_95] : memref<64x128xf32, #tpu.memory_space<vmem_shared>> -> memref<64x128xf32, #tpu.memory_space<vmem_shared>>
    tpu.wait_indirect_dma semaphore(%arg9 : memref<!tpu.dma_semaphore, #tpu.memory_space<semaphore_mem>>) src(%dma_wait3A_96 : memref<64x128xf32, #tpu.memory_space<vmem_shared>>) dst(%dma_wait3A_90 : memref<128x128xf32, #tpu.memory_space<vmem>>)
    %dma_start3A_97 = arith.constant 128 : i32
    %dma_start3A_98 = arith.constant 0 : i32
    %dma_start3A_99 = tpu.memref_slice %arg7[%dma_start3A_97, %dma_start3A_98] : memref<512x128xf32, #tpu.memory_space<vmem>> -> memref<128x128xf32, #tpu.memory_space<vmem>>
    %dma_start3A_100 = arith.constant 0 : i32
    %dma_start3A_101 = arith.constant 0 : i32
    %dma_start3A_102 = tpu.memref_slice %arg4[%add3A, %dma_start3A_100, %dma_start3A_101] : memref<32x512x128xf32, #tpu.memory_space<hbm>> -> memref<1x512x128xf32, #tpu.memory_space<hbm>>
    %dma_start3A_103 = tpu.memref_squeeze %dma_start3A_102 : memref<1x512x128xf32, #tpu.memory_space<hbm>> -> memref<512x128xf32, #tpu.memory_space<hbm>>
    %dma_start3A_104 = arith.constant 128 : i32
    %dma_start3A_105 = arith.constant 0 : i32
    %dma_start3A_106 = tpu.memref_slice %dma_start3A_103[%dma_start3A_104, %dma_start3A_105] : memref<512x128xf32, #tpu.memory_space<hbm>> -> memref<128x128xf32, #tpu.memory_space<hbm>>
    %dma_start3A_107 = arith.constant 0 : i32
    %dma_start3A_108 = arith.constant 0 : i32
    %dma_start3A_109 = tpu.memref_slice %arg4[%add3A, %dma_start3A_107, %dma_start3A_108] : memref<32x512x128xf32, #tpu.memory_space<hbm>> -> memref<1x512x128xf32, #tpu.memory_space<hbm>>
    %dma_start3A_110 = tpu.memref_squeeze %dma_start3A_109 : memref<1x512x128xf32, #tpu.memory_space<hbm>> -> memref<512x128xf32, #tpu.memory_space<hbm>>
    %dma_start3A_111 = arith.constant 128 : i32
    %dma_start3A_112 = arith.constant 0 : i32
    %dma_start3A_113 = tpu.memref_slice %dma_start3A_110[%dma_start3A_111, %dma_start3A_112] : memref<512x128xf32, #tpu.memory_space<hbm>> -> memref<128x128xf32, #tpu.memory_space<hbm>>
    %dma_start3A_114 = arith.constant 128 : i32
    %dma_start3A_115 = arith.constant 0 : i32
    %dma_start3A_116 = tpu.memref_slice %arg7[%dma_start3A_114, %dma_start3A_115] : memref<512x128xf32, #tpu.memory_space<vmem>> -> memref<128x128xf32, #tpu.memory_space<vmem>>
    tpu.enqueue_dma source(%dma_start3A_116 : memref<128x128xf32, #tpu.memory_space<vmem>>) target(%dma_start3A_113 : memref<128x128xf32, #tpu.memory_space<hbm>>) target_semaphore(%arg10 : memref<!tpu.dma_semaphore, #tpu.memory_space<semaphore_mem>>)
    %dma_wait3A_117 = arith.constant 2 : i32
    %dma_wait3A_118 = arith.constant 256 : i32
    %dma_wait3A_119 = arith.constant 0 : i32
    %dma_wait3A_120 = tpu.memref_slice %arg7[%dma_wait3A_118, %dma_wait3A_119] : memref<512x128xf32, #tpu.memory_space<vmem>> -> memref<128x128xf32, #tpu.memory_space<vmem>>
    %dma_wait3A_121 = arith.constant 0 : i32
    %dma_wait3A_122 = tpu.memref_slice %arg5[%dma_wait3A_117, %dma_wait3A_121] : memref<4x128xi32, #tpu.memory_space<vmem>> -> memref<1x128xi32, #tpu.memory_space<vmem>>
    %dma_wait3A_123 = tpu.memref_squeeze %dma_wait3A_122 : memref<1x128xi32, #tpu.memory_space<vmem>> -> memref<128xi32, #tpu.memory_space<vmem>>
    %dma_wait3A_124 = arith.constant 0 : i32
    %dma_wait3A_125 = arith.constant 0 : i32
    %dma_wait3A_126 = tpu.memref_slice %arg6[%dma_wait3A_124, %dma_wait3A_125] : memref<64x128xf32, #tpu.memory_space<vmem_shared>> -> memref<64x128xf32, #tpu.memory_space<vmem_shared>>
    tpu.wait_indirect_dma semaphore(%arg9 : memref<!tpu.dma_semaphore, #tpu.memory_space<semaphore_mem>>) src(%dma_wait3A_126 : memref<64x128xf32, #tpu.memory_space<vmem_shared>>) dst(%dma_wait3A_120 : memref<128x128xf32, #tpu.memory_space<vmem>>)
    %dma_start3A_127 = arith.constant 256 : i32
    %dma_start3A_128 = arith.constant 0 : i32
    %dma_start3A_129 = tpu.memref_slice %arg7[%dma_start3A_127, %dma_start3A_128] : memref<512x128xf32, #tpu.memory_space<vmem>> -> memref<128x128xf32, #tpu.memory_space<vmem>>
    %dma_start3A_130 = arith.constant 0 : i32
    %dma_start3A_131 = arith.constant 0 : i32
    %dma_start3A_132 = tpu.memref_slice %arg4[%add3A, %dma_start3A_130, %dma_start3A_131] : memref<32x512x128xf32, #tpu.memory_space<hbm>> -> memref<1x512x128xf32, #tpu.memory_space<hbm>>
    %dma_start3A_133 = tpu.memref_squeeze %dma_start3A_132 : memref<1x512x128xf32, #tpu.memory_space<hbm>> -> memref<512x128xf32, #tpu.memory_space<hbm>>
    %dma_start3A_134 = arith.constant 256 : i32
    %dma_start3A_135 = arith.constant 0 : i32
    %dma_start3A_136 = tpu.memref_slice %dma_start3A_133[%dma_start3A_134, %dma_start3A_135] : memref<512x128xf32, #tpu.memory_space<hbm>> -> memref<128x128xf32, #tpu.memory_space<hbm>>
    %dma_start3A_137 = arith.constant 0 : i32
    %dma_start3A_138 = arith.constant 0 : i32
    %dma_start3A_139 = tpu.memref_slice %arg4[%add3A, %dma_start3A_137, %dma_start3A_138] : memref<32x512x128xf32, #tpu.memory_space<hbm>> -> memref<1x512x128xf32, #tpu.memory_space<hbm>>
    %dma_start3A_140 = tpu.memref_squeeze %dma_start3A_139 : memref<1x512x128xf32, #tpu.memory_space<hbm>> -> memref<512x128xf32, #tpu.memory_space<hbm>>
    %dma_start3A_141 = arith.constant 256 : i32
    %dma_start3A_142 = arith.constant 0 : i32
    %dma_start3A_143 = tpu.memref_slice %dma_start3A_140[%dma_start3A_141, %dma_start3A_142] : memref<512x128xf32, #tpu.memory_space<hbm>> -> memref<128x128xf32, #tpu.memory_space<hbm>>
    %dma_start3A_144 = arith.constant 256 : i32
    %dma_start3A_145 = arith.constant 0 : i32
    %dma_start3A_146 = tpu.memref_slice %arg7[%dma_start3A_144, %dma_start3A_145] : memref<512x128xf32, #tpu.memory_space<vmem>> -> memref<128x128xf32, #tpu.memory_space<vmem>>
    tpu.enqueue_dma source(%dma_start3A_146 : memref<128x128xf32, #tpu.memory_space<vmem>>) target(%dma_start3A_143 : memref<128x128xf32, #tpu.memory_space<hbm>>) target_semaphore(%arg10 : memref<!tpu.dma_semaphore, #tpu.memory_space<semaphore_mem>>)
    %dma_wait3A_147 = arith.constant 3 : i32
    %dma_wait3A_148 = arith.constant 384 : i32
    %dma_wait3A_149 = arith.constant 0 : i32
    %dma_wait3A_150 = tpu.memref_slice %arg7[%dma_wait3A_148, %dma_wait3A_149] : memref<512x128xf32, #tpu.memory_space<vmem>> -> memref<128x128xf32, #tpu.memory_space<vmem>>
    %dma_wait3A_151 = arith.constant 0 : i32
    %dma_wait3A_152 = tpu.memref_slice %arg5[%dma_wait3A_147, %dma_wait3A_151] : memref<4x128xi32, #tpu.memory_space<vmem>> -> memref<1x128xi32, #tpu.memory_space<vmem>>
    %dma_wait3A_153 = tpu.memref_squeeze %dma_wait3A_152 : memref<1x128xi32, #tpu.memory_space<vmem>> -> memref<128xi32, #tpu.memory_space<vmem>>
    %dma_wait3A_154 = arith.constant 0 : i32
    %dma_wait3A_155 = arith.constant 0 : i32
    %dma_wait3A_156 = tpu.memref_slice %arg6[%dma_wait3A_154, %dma_wait3A_155] : memref<64x128xf32, #tpu.memory_space<vmem_shared>> -> memref<64x128xf32, #tpu.memory_space<vmem_shared>>
    tpu.wait_indirect_dma semaphore(%arg9 : memref<!tpu.dma_semaphore, #tpu.memory_space<semaphore_mem>>) src(%dma_wait3A_156 : memref<64x128xf32, #tpu.memory_space<vmem_shared>>) dst(%dma_wait3A_150 : memref<128x128xf32, #tpu.memory_space<vmem>>)
    %dma_start3A_157 = arith.constant 384 : i32
    %dma_start3A_158 = arith.constant 0 : i32
    %dma_start3A_159 = tpu.memref_slice %arg7[%dma_start3A_157, %dma_start3A_158] : memref<512x128xf32, #tpu.memory_space<vmem>> -> memref<128x128xf32, #tpu.memory_space<vmem>>
    %dma_start3A_160 = arith.constant 0 : i32
    %dma_start3A_161 = arith.constant 0 : i32
    %dma_start3A_162 = tpu.memref_slice %arg4[%add3A, %dma_start3A_160, %dma_start3A_161] : memref<32x512x128xf32, #tpu.memory_space<hbm>> -> memref<1x512x128xf32, #tpu.memory_space<hbm>>
    %dma_start3A_163 = tpu.memref_squeeze %dma_start3A_162 : memref<1x512x128xf32, #tpu.memory_space<hbm>> -> memref<512x128xf32, #tpu.memory_space<hbm>>
    %dma_start3A_164 = arith.constant 384 : i32
    %dma_start3A_165 = arith.constant 0 : i32
    %dma_start3A_166 = tpu.memref_slice %dma_start3A_163[%dma_start3A_164, %dma_start3A_165] : memref<512x128xf32, #tpu.memory_space<hbm>> -> memref<128x128xf32, #tpu.memory_space<hbm>>
    %dma_start3A_167 = arith.constant 0 : i32
    %dma_start3A_168 = arith.constant 0 : i32
    %dma_start3A_169 = tpu.memref_slice %arg4[%add3A, %dma_start3A_167, %dma_start3A_168] : memref<32x512x128xf32, #tpu.memory_space<hbm>> -> memref<1x512x128xf32, #tpu.memory_space<hbm>>
    %dma_start3A_170 = tpu.memref_squeeze %dma_start3A_169 : memref<1x512x128xf32, #tpu.memory_space<hbm>> -> memref<512x128xf32, #tpu.memory_space<hbm>>
    %dma_start3A_171 = arith.constant 384 : i32
    %dma_start3A_172 = arith.constant 0 : i32
    %dma_start3A_173 = tpu.memref_slice %dma_start3A_170[%dma_start3A_171, %dma_start3A_172] : memref<512x128xf32, #tpu.memory_space<hbm>> -> memref<128x128xf32, #tpu.memory_space<hbm>>
    %dma_start3A_174 = arith.constant 384 : i32
    %dma_start3A_175 = arith.constant 0 : i32
    %dma_start3A_176 = tpu.memref_slice %arg7[%dma_start3A_174, %dma_start3A_175] : memref<512x128xf32, #tpu.memory_space<vmem>> -> memref<128x128xf32, #tpu.memory_space<vmem>>
    tpu.enqueue_dma source(%dma_start3A_176 : memref<128x128xf32, #tpu.memory_space<vmem>>) target(%dma_start3A_173 : memref<128x128xf32, #tpu.memory_space<hbm>>) target_semaphore(%arg10 : memref<!tpu.dma_semaphore, #tpu.memory_space<semaphore_mem>>)
    %dma_wait3A_177 = arith.constant 0 : i32
    %dma_wait3A_178 = arith.constant 0 : i32
    %dma_wait3A_179 = tpu.memref_slice %arg7[%dma_wait3A_177, %dma_wait3A_178] : memref<512x128xf32, #tpu.memory_space<vmem>> -> memref<128x128xf32, #tpu.memory_space<vmem>>
    %dma_wait3A_180 = arith.constant 0 : i32
    %dma_wait3A_181 = arith.constant 0 : i32
    %dma_wait3A_182 = tpu.memref_slice %arg4[%add3A, %dma_wait3A_180, %dma_wait3A_181] : memref<32x512x128xf32, #tpu.memory_space<hbm>> -> memref<1x512x128xf32, #tpu.memory_space<hbm>>
    %dma_wait3A_183 = tpu.memref_squeeze %dma_wait3A_182 : memref<1x512x128xf32, #tpu.memory_space<hbm>> -> memref<512x128xf32, #tpu.memory_space<hbm>>
    %dma_wait3A_184 = arith.constant 0 : i32
    %dma_wait3A_185 = arith.constant 0 : i32
    %dma_wait3A_186 = tpu.memref_slice %dma_wait3A_183[%dma_wait3A_184, %dma_wait3A_185] : memref<512x128xf32, #tpu.memory_space<hbm>> -> memref<128x128xf32, #tpu.memory_space<hbm>>
    %dma_wait3A_187 = arith.constant 0 : i32
    %dma_wait3A_188 = arith.constant 0 : i32
    %dma_wait3A_189 = tpu.memref_slice %arg4[%add3A, %dma_wait3A_187, %dma_wait3A_188] : memref<32x512x128xf32, #tpu.memory_space<hbm>> -> memref<1x512x128xf32, #tpu.memory_space<hbm>>
    %dma_wait3A_190 = tpu.memref_squeeze %dma_wait3A_189 : memref<1x512x128xf32, #tpu.memory_space<hbm>> -> memref<512x128xf32, #tpu.memory_space<hbm>>
    %dma_wait3A_191 = arith.constant 0 : i32
    %dma_wait3A_192 = arith.constant 0 : i32
    %dma_wait3A_193 = tpu.memref_slice %dma_wait3A_190[%dma_wait3A_191, %dma_wait3A_192] : memref<512x128xf32, #tpu.memory_space<hbm>> -> memref<128x128xf32, #tpu.memory_space<hbm>>
    %dma_wait3A_194 = arith.constant 0 : i32
    %dma_wait3A_195 = arith.constant 0 : i32
    %dma_wait3A_196 = tpu.memref_slice %arg7[%dma_wait3A_194, %dma_wait3A_195] : memref<512x128xf32, #tpu.memory_space<vmem>> -> memref<128x128xf32, #tpu.memory_space<vmem>>
    tpu.wait_dma2 semaphore(%arg10 : memref<!tpu.dma_semaphore, #tpu.memory_space<semaphore_mem>>) src(%dma_wait3A_196 : memref<128x128xf32, #tpu.memory_space<vmem>>) dst(%dma_wait3A_193 : memref<128x128xf32, #tpu.memory_space<hbm>>)
    %dma_wait3A_197 = arith.constant 128 : i32
    %dma_wait3A_198 = arith.constant 0 : i32
    %dma_wait3A_199 = tpu.memref_slice %arg7[%dma_wait3A_197, %dma_wait3A_198] : memref<512x128xf32, #tpu.memory_space<vmem>> -> memref<128x128xf32, #tpu.memory_space<vmem>>
    %dma_wait3A_200 = arith.constant 0 : i32
    %dma_wait3A_201 = arith.constant 0 : i32
    %dma_wait3A_202 = tpu.memref_slice %arg4[%add3A, %dma_wait3A_200, %dma_wait3A_201] : memref<32x512x128xf32, #tpu.memory_space<hbm>> -> memref<1x512x128xf32, #tpu.memory_space<hbm>>
    %dma_wait3A_203 = tpu.memref_squeeze %dma_wait3A_202 : memref<1x512x128xf32, #tpu.memory_space<hbm>> -> memref<512x128xf32, #tpu.memory_space<hbm>>
    %dma_wait3A_204 = arith.constant 128 : i32
    %dma_wait3A_205 = arith.constant 0 : i32
    %dma_wait3A_206 = tpu.memref_slice %dma_wait3A_203[%dma_wait3A_204, %dma_wait3A_205] : memref<512x128xf32, #tpu.memory_space<hbm>> -> memref<128x128xf32, #tpu.memory_space<hbm>>
    %dma_wait3A_207 = arith.constant 0 : i32
    %dma_wait3A_208 = arith.constant 0 : i32
    %dma_wait3A_209 = tpu.memref_slice %arg4[%add3A, %dma_wait3A_207, %dma_wait3A_208] : memref<32x512x128xf32, #tpu.memory_space<hbm>> -> memref<1x512x128xf32, #tpu.memory_space<hbm>>
    %dma_wait3A_210 = tpu.memref_squeeze %dma_wait3A_209 : memref<1x512x128xf32, #tpu.memory_space<hbm>> -> memref<512x128xf32, #tpu.memory_space<hbm>>
    %dma_wait3A_211 = arith.constant 128 : i32
    %dma_wait3A_212 = arith.constant 0 : i32
    %dma_wait3A_213 = tpu.memref_slice %dma_wait3A_210[%dma_wait3A_211, %dma_wait3A_212] : memref<512x128xf32, #tpu.memory_space<hbm>> -> memref<128x128xf32, #tpu.memory_space<hbm>>
    %dma_wait3A_214 = arith.constant 128 : i32
    %dma_wait3A_215 = arith.constant 0 : i32
    %dma_wait3A_216 = tpu.memref_slice %arg7[%dma_wait3A_214, %dma_wait3A_215] : memref<512x128xf32, #tpu.memory_space<vmem>> -> memref<128x128xf32, #tpu.memory_space<vmem>>
    tpu.wait_dma2 semaphore(%arg10 : memref<!tpu.dma_semaphore, #tpu.memory_space<semaphore_mem>>) src(%dma_wait3A_216 : memref<128x128xf32, #tpu.memory_space<vmem>>) dst(%dma_wait3A_213 : memref<128x128xf32, #tpu.memory_space<hbm>>)
    %dma_wait3A_217 = arith.constant 256 : i32
    %dma_wait3A_218 = arith.constant 0 : i32
    %dma_wait3A_219 = tpu.memref_slice %arg7[%dma_wait3A_217, %dma_wait3A_218] : memref<512x128xf32, #tpu.memory_space<vmem>> -> memref<128x128xf32, #tpu.memory_space<vmem>>
    %dma_wait3A_220 = arith.constant 0 : i32
    %dma_wait3A_221 = arith.constant 0 : i32
    %dma_wait3A_222 = tpu.memref_slice %arg4[%add3A, %dma_wait3A_220, %dma_wait3A_221] : memref<32x512x128xf32, #tpu.memory_space<hbm>> -> memref<1x512x128xf32, #tpu.memory_space<hbm>>
    %dma_wait3A_223 = tpu.memref_squeeze %dma_wait3A_222 : memref<1x512x128xf32, #tpu.memory_space<hbm>> -> memref<512x128xf32, #tpu.memory_space<hbm>>
    %dma_wait3A_224 = arith.constant 256 : i32
    %dma_wait3A_225 = arith.constant 0 : i32
    %dma_wait3A_226 = tpu.memref_slice %dma_wait3A_223[%dma_wait3A_224, %dma_wait3A_225] : memref<512x128xf32, #tpu.memory_space<hbm>> -> memref<128x128xf32, #tpu.memory_space<hbm>>
    %dma_wait3A_227 = arith.constant 0 : i32
    %dma_wait3A_228 = arith.constant 0 : i32
    %dma_wait3A_229 = tpu.memref_slice %arg4[%add3A, %dma_wait3A_227, %dma_wait3A_228] : memref<32x512x128xf32, #tpu.memory_space<hbm>> -> memref<1x512x128xf32, #tpu.memory_space<hbm>>
    %dma_wait3A_230 = tpu.memref_squeeze %dma_wait3A_229 : memref<1x512x128xf32, #tpu.memory_space<hbm>> -> memref<512x128xf32, #tpu.memory_space<hbm>>
    %dma_wait3A_231 = arith.constant 256 : i32
    %dma_wait3A_232 = arith.constant 0 : i32
    %dma_wait3A_233 = tpu.memref_slice %dma_wait3A_230[%dma_wait3A_231, %dma_wait3A_232] : memref<512x128xf32, #tpu.memory_space<hbm>> -> memref<128x128xf32, #tpu.memory_space<hbm>>
    %dma_wait3A_234 = arith.constant 256 : i32
    %dma_wait3A_235 = arith.constant 0 : i32
    %dma_wait3A_236 = tpu.memref_slice %arg7[%dma_wait3A_234, %dma_wait3A_235] : memref<512x128xf32, #tpu.memory_space<vmem>> -> memref<128x128xf32, #tpu.memory_space<vmem>>
    tpu.wait_dma2 semaphore(%arg10 : memref<!tpu.dma_semaphore, #tpu.memory_space<semaphore_mem>>) src(%dma_wait3A_236 : memref<128x128xf32, #tpu.memory_space<vmem>>) dst(%dma_wait3A_233 : memref<128x128xf32, #tpu.memory_space<hbm>>)
    %dma_wait3A_237 = arith.constant 384 : i32
    %dma_wait3A_238 = arith.constant 0 : i32
    %dma_wait3A_239 = tpu.memref_slice %arg7[%dma_wait3A_237, %dma_wait3A_238] : memref<512x128xf32, #tpu.memory_space<vmem>> -> memref<128x128xf32, #tpu.memory_space<vmem>>
    %dma_wait3A_240 = arith.constant 0 : i32
    %dma_wait3A_241 = arith.constant 0 : i32
    %dma_wait3A_242 = tpu.memref_slice %arg4[%add3A, %dma_wait3A_240, %dma_wait3A_241] : memref<32x512x128xf32, #tpu.memory_space<hbm>> -> memref<1x512x128xf32, #tpu.memory_space<hbm>>
    %dma_wait3A_243 = tpu.memref_squeeze %dma_wait3A_242 : memref<1x512x128xf32, #tpu.memory_space<hbm>> -> memref<512x128xf32, #tpu.memory_space<hbm>>
    %dma_wait3A_244 = arith.constant 384 : i32
    %dma_wait3A_245 = arith.constant 0 : i32
    %dma_wait3A_246 = tpu.memref_slice %dma_wait3A_243[%dma_wait3A_244, %dma_wait3A_245] : memref<512x128xf32, #tpu.memory_space<hbm>> -> memref<128x128xf32, #tpu.memory_space<hbm>>
    %dma_wait3A_247 = arith.constant 0 : i32
    %dma_wait3A_248 = arith.constant 0 : i32
    %dma_wait3A_249 = tpu.memref_slice %arg4[%add3A, %dma_wait3A_247, %dma_wait3A_248] : memref<32x512x128xf32, #tpu.memory_space<hbm>> -> memref<1x512x128xf32, #tpu.memory_space<hbm>>
    %dma_wait3A_250 = tpu.memref_squeeze %dma_wait3A_249 : memref<1x512x128xf32, #tpu.memory_space<hbm>> -> memref<512x128xf32, #tpu.memory_space<hbm>>
    %dma_wait3A_251 = arith.constant 384 : i32
    %dma_wait3A_252 = arith.constant 0 : i32
    %dma_wait3A_253 = tpu.memref_slice %dma_wait3A_250[%dma_wait3A_251, %dma_wait3A_252] : memref<512x128xf32, #tpu.memory_space<hbm>> -> memref<128x128xf32, #tpu.memory_space<hbm>>
    %dma_wait3A_254 = arith.constant 384 : i32
    %dma_wait3A_255 = arith.constant 0 : i32
    %dma_wait3A_256 = tpu.memref_slice %arg7[%dma_wait3A_254, %dma_wait3A_255] : memref<512x128xf32, #tpu.memory_space<vmem>> -> memref<128x128xf32, #tpu.memory_space<vmem>>
    tpu.wait_dma2 semaphore(%arg10 : memref<!tpu.dma_semaphore, #tpu.memory_space<semaphore_mem>>) src(%dma_wait3A_256 : memref<128x128xf32, #tpu.memory_space<vmem>>) dst(%dma_wait3A_253 : memref<128x128xf32, #tpu.memory_space<hbm>>)
    return
  }
}

</mosaic_0001>

<sc_bundles>
// kernel: kernel.3.cloned.1.call-start
scs
__scs_entry_jumppad:
0x0: {  	(pc) =	sbr.rel $0x88, $3  }
0x1: {  	(tag) =	ssettag $0x0;
	lr =	simm.s32 $0x1  }
0x2: {  	[smem:$0x3F9F] =	sst lr;
	_ =	strace $0xD0000000  }
0x3: {  	_ = 	snop  }
0x4: {  	_ = 	snop  }
0x5: {  	_ = 	snop  }
0x6: {  	_ = 	snop  }
0x7: {  	_ = 	snop  }
__scs_overlays_trampoline_lowered:
0x8: {  	[smem:$0x3FAE] =	sst s0  }
0x9: {  	[smem:$0x3FAF] =	sst s1  }
0xa: {  	[smem:$0x3FB0] =	sst s2  }
0xb: {  	[smem:$0x3FB1] =	sst s3  }
0xc: {  	[smem:$0x3FB2] =	sst s4  }
0xd: {  	[smem:$0x3FB3] =	sst s5  }
0xe: {  	[smem:$0x3FB4] =	sst s6  }
0xf: {  	[smem:$0x3FB5] =	sst s7  }
0x10: {  	[smem:$0x3FB6] =	sst s8  }
0x11: {  	[smem:$0x3FB7] =	sst s9;
	s0 =	simm.s32 @!p0 $0x0  }
0x12: {  	s1 =	sld [smem:$0x3F9D];
	s0 =	simm.s32 @p0 $0x1  }
0x13: {  	[smem:$0x3FB8] =	sst s0;
	s0 =	simm.s32 @!p1 $0x0  }
0x14: {  	s2 =	sld [smem:$0x3F9C];
	s0 =	simm.s32 @p1 $0x1  }
0x15: {  	[smem:$0x3FB9] =	sst s0;
	s0 =	simm.s32 @!p2 $0x0  }
0x16: {  	s3 =	sld [smem:$0x3FDB];
	s0 =	simm.s32 @p2 $0x1  }
0x17: {  	s4 =	simm.s32 $0x1BF5;
	[smem:$0x3FBB] =	sst s0  }
0x18: {  	s0 =	sld [smem:$0x3F9E];
	_ =	swait.ge [sflag:s4], $0x0  }
0x19: {  	s7 =	sld [smem:$0x3F9F]  }
0x1a: {  	s8 =	sadd.s32 $0xFFFFE003, lr  }
0x1b: {  	s9 =	sadd.s32 $0xFFFFFEF7, lr;
	s5 =	simm.s32 $0xFFFFFFFF;
	p2 =	slt.u32 s8, $0xFFFFF086  }
0x1c: {  	p1 =	slt.u32 s9, $0xF7A;
	s5 =	simm.s32 @!p2 $0x0  }
0x1d: {  	s5 =	simm.s32 @p1 $0x1;
	p0 =	seq.s32 s7, s2  }
0x1e: {  	s7 =	smul.u32 @!p0 $0xF7A, s2;
	p2 =	seq.s32 @!p0 s5, $0x0  }
0x1f: {  	s9 =	smul.u32 $0xF7A, s1;
	s8 =	simm.s32 @!p0 $0x1BF5;
	p2 =	por !p2, p0  }
0x20: {  	[sflag:s8] =	ssyncset.s32 @!p0 $0xFFFFF086;
	s6 =	sadd.s32 @!p0 s3, s7;
	s7 =	simm.s32 @!p0 $0x108  }
0x21: {  	s3 =	sadd.s32 s3, s9;
	s6 =	sadd.s32 @!p0 $0x88, s6;
	s7 =	simm.s32 @p2 $0x1082  }
0x22: {  	[simem:s7], [sflag:s8] =	dma.local @!p0 [hbm:s6], $0xF7A  }
0x23: {  	s9 =	sor.u32 $0xD0000000, s2;
	s6 =	simm.s32 $0x108;
	_ =	swait.ge @!p0 [sflag:s8], $0x0  }
0x24: {  	s3 =	sadd.s32 $0x88, s3;
	s6 =	simm.s32 @!p1 $0x1082;
	[sflag:s4] =	ssyncset.s32 $0xFFFFF086  }
0x25: {  	[simem:s6], [sflag:s4] =	dma.local [hbm:s3], $0xF7A  }
0x26: {  	[smem:$0x3F9F] =	sst s1;
	(tag) =	ssettag s2;
	_ =	strace s9  }
0x27: {  	s1 =	sld [smem:$0x3FAF]  }
0x28: {  	s2 =	sld [smem:$0x3FB0]  }
0x29: {  	s4 =	sld [smem:$0x3FB2]  }
0x2a: {  	p0 =	seq.s32 s5, $0x0;
	s5 =	sld [smem:$0x3FB3]  }
0x2b: {  	s6 =	sld [smem:$0x3FB4]  }
0x2c: {  	s7 =	sld [smem:$0x3FB5]  }
0x2d: {  	s3 =	simm.s32 $0x108;
	s8 =	sld [smem:$0x3FB6]  }
0x2e: {  	s3 =	simm.s32 @!p0 $0x1082;
	s9 =	sld [smem:$0x3FB7]  }
0x2f: {  	lr =	sadd.s32 s0, s3;
	s0 =	sld [smem:$0x3FAE]  }
0x30: {  	s3 =	sld [smem:$0x3FB1]  }
0x31: {  	[smem:$0x3FBA] =	sst s10  }
0x32: {  	s10 =	sld [smem:$0x3FB8];
	_ =	sdelay $0x3  }
0x33: {  	p0 =	seq.s32 s10, $0x1;
	s10 =	sld [smem:$0x3FBA];
	_ =	sdelay $0x3  }
0x34: {  	[smem:$0x3FBA] =	sst s10  }
0x35: {  	s10 =	sld [smem:$0x3FB9];
	_ =	sdelay $0x3  }
0x36: {  	p1 =	seq.s32 s10, $0x1;
	s10 =	sld [smem:$0x3FBA];
	_ =	sdelay $0x3  }
0x37: {  	[smem:$0x3FBA] =	sst s10  }
0x38: {  	s10 =	sld [smem:$0x3FBB]  }
0x39: {  	_ = 	snop;
	(pc) =	sbr.ind lr, $3  }
0x3a: {  	_ = 	snop  }
0x3b: {  	_ = 	snop  }
0x3c: {  	p2 =	seq.s32 s10, $0x1;
	s10 =	sld [smem:$0x3FBA]  }
0x3d: {  	_ =	shalt  }
0x3e: {  	_ =	shalt  }
0x3f: {  	_ =	shalt  }
0x40: {  	_ =	shalt  }
0x41: {  	_ =	shalt  }
0x42: {  	_ =	shalt  }
0x43: {  	_ =	shalt  }
0x44: {  	_ =	shalt  }
0x45: {  	_ =	shalt  }
0x46: {  	_ =	shalt  }
0x47: {  	_ =	shalt  }
0x48: {  	_ =	shalt  }
0x49: {  	_ =	shalt  }
0x4a: {  	_ =	shalt  }
0x4b: {  	_ =	shalt  }
0x4c: {  	_ =	shalt  }
0x4d: {  	_ =	shalt  }
0x4e: {  	_ =	shalt  }
0x4f: {  	_ =	shalt  }
0x50: {  	_ =	shalt  }
0x51: {  	_ =	shalt  }
0x52: {  	_ =	shalt  }
0x53: {  	_ =	shalt  }
0x54: {  	_ =	shalt  }
0x55: {  	_ =	shalt  }
0x56: {  	_ =	shalt  }
0x57: {  	_ =	shalt  }
0x58: {  	_ =	shalt  }
0x59: {  	_ =	shalt  }
0x5a: {  	_ =	shalt  }
0x5b: {  	_ =	shalt  }
0x5c: {  	_ =	shalt  }
0x5d: {  	_ =	shalt  }
0x5e: {  	_ =	shalt  }
0x5f: {  	_ =	shalt  }
0x60: {  	_ =	shalt  }
0x61: {  	_ =	shalt  }
0x62: {  	_ =	shalt  }
0x63: {  	_ =	shalt  }
0x64: {  	_ =	shalt  }
0x65: {  	_ =	shalt  }
0x66: {  	_ =	shalt  }
0x67: {  	_ =	shalt  }
0x68: {  	_ =	shalt  }
0x69: {  	_ =	shalt  }
0x6a: {  	_ =	shalt  }
0x6b: {  	_ =	shalt  }
0x6c: {  	_ =	shalt  }
0x6d: {  	_ =	shalt  }
0x6e: {  	_ =	shalt  }
0x6f: {  	_ =	shalt  }
0x70: {  	_ =	shalt  }
0x71: {  	_ =	shalt  }
0x72: {  	_ =	shalt  }
0x73: {  	_ =	shalt  }
0x74: {  	_ =	shalt  }
0x75: {  	_ =	shalt  }
0x76: {  	_ =	shalt  }
0x77: {  	_ =	shalt  }
0x78: {  	_ =	shalt  }
0x79: {  	_ =	shalt  }
0x7a: {  	_ =	shalt  }
0x7b: {  	_ =	shalt  }
0x7c: {  	_ =	shalt  }
0x7d: {  	_ =	shalt  }
0x7e: {  	_ =	shalt  }
0x7f: {  	_ =	shalt  }
0x80: {  	_ =	shalt  }
0x81: {  	_ =	shalt  }
0x82: {  	_ =	shalt  }
0x83: {  	_ =	shalt  }
0x84: {  	_ =	shalt  }
0x85: {  	_ =	shalt  }
0x86: {  	_ =	shalt  }
0x87: {  	_ =	shalt  }
.Lfunc_end0:
.L_simem_size_0:
called_computation_lowered:
.L_overlay_start_0:
0x88: {  	s2 =	sld [smem:$0x3FD9]  }
0x89: {  	s3 =	sld [smem:$0x3FFE];
	_ =	sdelay $0x1  }
0x8a: {  	s1 =	srdreg.scid  }
0x8b: {  	s0 =	sand.u32 $0x1, s1  }
0x8c: {  	s18 =	sshll.u32 s0, $0xA;
	s2 =	sadd.s32 s3, s2  }
0x8d: {  	s2 =	sadd.s32 s2, s18  }
0x8e: {  	[smem:$0x3FC6] =	sst s2  }
0x8f: {  	_ = 	snop  }
0x90: {  	s2 =	sld [smem:$0x3FC9]  }
0x91: {  	s19 =	sld [smem:$0x3FC8]  }
0x92: {  	s4 =	sld [smem:$0x3FD0];
	(tm) =	ssettm $0x1  }
0x93: {  	s5 =	sld [smem:$0x3FFB];
	_ =	sdelay $0x3  }
0x94: {  	_ =	strace s5  }
0x95: {  	s5 =	sld [smem:$0x3FFC];
	_ =	sdelay $0x3  }
0x96: {  	_ =	strace s5  }
0x97: {  	s5 =	sld [smem:$0x3FFD];
	_ =	sdelay $0x3  }
0x98: {  	_ =	strace s5  }
0x99: {  	_ =	strace $0x8FFFFFFF  }
0x9a: {  	s20 =	sld [smem:$0x3FDB];
	_ =	sdelay $0x1  }
0x9b: {  	s6 =	simm.s32 $_scs_section_size  }
0x9c: {  	s7 =	simm.s32 $_size__tile_overlayer_lowered;
	s8 =	simm.s32 $_tile_overlayer_lowered  }
0x9d: {  	s23 =	simm.s32 $0x1BFF;
	s22 =	sshll.u32 s8, $0x1;
	s5 =	sadd.s32 s6, s20  }
0x9e: {  	s9 =	simm.s32 $0x0;
	s21 =	sshll.u32 s7, $0x1;
	s7 =	sadd.s32 s22, s5  }
0x9f: {  	[timem:s9], [sflag:s23] =	dma.local [hbm:s7], s21  }
0xa0: {  	_ =	swait.ge [sflag:s23], s21  }
0xa1: {  	s6 =	ssub.s32 $0x0, s21;
	[sflag:s23] =	ssyncset.done $0x0  }
0xa2: {  	[sflag:s23] =	ssyncadd.s32 s6;
	_ =	sdelay $0x1  }
0xa3: {  	s24 =	simm.s32 $0x1B8B  }
0xa4: {  	_ =	swait.ge [sflag:s24], $0x1  }
0xa5: {  	[sflag:s24] =	ssyncset.done $0x0  }
0xa6: {  	s25 =	simm.s32 $0x1B8E;
	[sflag:s24] =	ssyncadd.s32 $0xFFFFFFFF  }
0xa7: {  	s26 =	simm.s32 $execute0_lowered;
	[smem:$0x3FD2] =	sst s25  }
0xa8: {  	s6 =	sshll.u32 s26, $0x1;
	_ =	strace $0x80000046;
	[dreg:$0x1] =	wrdreg $0xFFFFFFFF  }
0xa9: {  	s28 =	simm.s32 $_size_execute0_lowered;
	s5 =	sadd.s32 s5, s6;
	[dreg:$0x0] =	wrdreg $0x0  }
0xaa: {  	s6 =	sshll.u32 s28, $0x1;
	[dreg:$0x2] =	wrdreg s5  }
0xab: {  	[dreg:$0x3] =	wrdreg s6  }
0xac: {  	[dreg:$0x4] =	wrdreg $0xC0  }
0xad: {  	_ =	task [dreg:s9], $0x5FFFF  }
0xae: {  	[dreg:$0x1] =	wrdreg $0xFFFFFFFF  }
0xaf: {  	[dreg:$0x0] =	wrdreg $0x60  }
0xb0: {  	[dreg:$0x2] =	wrdreg s2  }
0xb1: {  	[dreg:$0x3] =	wrdreg s19  }
0xb2: {  	[dreg:$0x4] =	wrdreg s4  }
0xb3: {  	[dreg:$0x5] =	wrdreg $0x2000  }
0xb4: {  	[dreg:$0x6] =	wrdreg $0x9  }
0xb5: {  	_ =	task.clear_ibuf [dreg:s9], $0x7FFFF;
	_ =	strace $0x90000046  }
0xb6: {  	s29 =	simm.s32 $0x9;
	_ =	strace $0x80000048  }
0xb7: {  	_ =	swait.ge [sflag:s29], $0x1  }
0xb8: {  	[sflag:s29] =	ssyncadd.s32 $0xFFFFFFFF  }
0xb9: {  	_ =	strace $0x90000048  }
0xba: {  	_ =	sfence  }
0xbb: {  	s30 =	sld [smem:$0x0];
	_ =	sdelay $0x2  }
0xbc: {  	s31 =	sshll.u32 s1, $0xD;
	s1 =	sshrl.u32 s1, $0x2  }
0xbd: {  	s3 =	sand.u32 $0x4000, s31;
	s1 =	sadd.s32 s1, s30  }
0xbe: {  	s0 =	sor.u32 s3, s0;
	s1 =	sshll.u32 s1, $0x11  }
0xbf: {  	s0 =	sor.u32 s1, s0  }
0xc0: {  	s0 =	sadd.s32 $0x8F2B, s0  }
0xc1: {  	[sflag:s0] =	ssyncadd.remote.s32 $0x1  }
0xc2: {  	_ =	sfence.sel $0xFFFF  }
0xc3: {  	[dreg:$0x0] =	wrdreg $0xFFFFFFFF;
	(pc) =	sbr.abs _section_cstart, $3  }
0xc4: {  	[dreg:$0x1] =	wrdreg $0xFFFFFFFF  }
0xc5: {  	_ =	task.clear_ibuf [dreg:s9], $0x2FFFF;
	_ =	strace $0x9FFFFFFF  }
0xc6: {  	(tm) =	ssettm $0x7FFFFFFF  }
0xc7: {  	_ =	shalt  }
tec
execute0_lowered:
.L_overlay_start_1:
0x0: {  	(tag) =	ssettag $0x1  }
0x1: {  	s4 =	rddreg [dreg:$0x0]  }
0x2: {  	s0 =	rddreg [dreg:$0x1]  }
0x3: {  	s16 =	rddreg [dreg:$0x2];
	s1 =	srdreg.scid  }
0x4: {  	s5 =	stileid.u32;
	s2 =	rddreg [dreg:$0x3];
	s3 =	simm.s32 $0x0  }
0x5: {  	s21 =	sand.u32 $0x1, s1;
	s6 =	sshll.u32 s5, $0x1;
	s1 =	rddreg [dreg:$0x4]  }
0x6: {  	[smem:$0x7FF] =	sst s3;
	p0 =	sne.s32 s5, $0x0;
	s17 =	sor.u32 s21, s6  }
0x7: {  	_ =	strace $0x80000047;
	s5 =	sshrl.u32 @!p0 s2, $0x3;
	s6 =	sshll.u32 s17, $0x6  }
0x8: {  	s7 =	simm.s32 @!p0 $0x1;
	s4 =	sadd.s32 s4, s6;
	s6 =	simm.s32 @!p0 $0x1C01  }
0x9: {  	[tilespmem:s3], [sflag:$0x2] =	stream.linear.gather [hbm4b:s4+s3], $0x200, $0x38;
	[tilespmem:$0x10400] =	vst v63  }
0xa: {  	[spmem:s5], [sflag:s6] =	dma.local @!p0 [hbm:s0], $0x400  }
0xb: {  	_ =	swait.ge @!p0 [sflag:s7], $0x400  }
0xc: {  	[sflag:s7] =	ssyncset.done @!p0 $0x0  }
0xd: {  	s8 =	simm.s32 $0x2;
	[sflag:s7] =	ssyncadd.s32 @!p0 $0xFFFFFC00  }
0xe: {  	_ =	swait.ge [sflag:s8], $0x200  }
0xf: {  	[sflag:s8] =	ssyncset.done $0x0  }
0x10: {  	[sflag:s8] =	ssyncadd.s32 $0xFFFFFE00  }
0x11: {  	s9 =	simm.s32 $0x80;
	s10 =	simm.s32 $0x400;
	[bflag:$0x0] =	sbarrier.arrive $0xFFFF  }
0x12: {  	[tilespmem:s10], [sflag:$0x2] =	stream.indirect.gather [spmem:s2], $0x80, s3, s9, $0xb8;
	[tilespmem:$0x10400] =	vst v63  }
0x13: {  	s11 =	simm.s32 $0x4400  }
0x14: {  	[tilespmem:s11], [sflag:$0x2] =	stream.indirect.gather [spmem:s2], $0x80, s9, s9, $0xb8;
	[tilespmem:$0x10400] =	vst v63  }
0x15: {  	s12 =	simm.s32 $0x100;
	s13 =	simm.s32 $0x8400  }
0x16: {  	[tilespmem:s13], [sflag:$0x2] =	stream.indirect.gather [spmem:s2], $0x80, s12, s9, $0xb8;
	[tilespmem:$0x10400] =	vst v63  }
0x17: {  	s14 =	simm.s32 $0x180;
	s15 =	simm.s32 $0xC400  }
0x18: {  	[tilespmem:s15], [sflag:$0x2] =	stream.indirect.gather [spmem:s2], $0x80, s14, s9, $0xb8;
	[tilespmem:$0x10400] =	vst v63  }
0x19: {  	_ =	swait.ge [sflag:s8], $0x4000  }
0x1a: {  	s17 =	sshll.u32 s17, $0xD;
	[sflag:s8] =	ssyncset.done $0x0  }
0x1b: {  	s16 =	sadd.s32 s16, s17;
	[sflag:s8] =	ssyncadd.s32 $0xFFFFC000  }
0x1c: {  	[hbm4b:s16+s3] =	stream.linear.scatter [tilespmem:s10], [sflag:$0x3], $0x4000, $0x38;
	[tilespmem:$0x10400] =	vst v63  }
0x1d: {  	_ =	swait.ge [sflag:s8], $0x4000  }
0x1e: {  	[sflag:s8] =	ssyncset.done $0x0  }
0x1f: {  	s17 =	sadd.s32 $0x800, s16;
	[sflag:s8] =	ssyncadd.s32 $0xFFFFC000  }
0x20: {  	[hbm4b:s17+s3] =	stream.linear.scatter [tilespmem:s11], [sflag:$0x3], $0x4000, $0x38;
	[tilespmem:$0x10400] =	vst v63  }
0x21: {  	_ =	swait.ge [sflag:s8], $0x4000  }
0x22: {  	[sflag:s8] =	ssyncset.done $0x0  }
0x23: {  	s18 =	sadd.s32 $0x1000, s16;
	[sflag:s8] =	ssyncadd.s32 $0xFFFFC000  }
0x24: {  	[hbm4b:s18+s3] =	stream.linear.scatter [tilespmem:s13], [sflag:$0x3], $0x4000, $0x38;
	[tilespmem:$0x10400] =	vst v63  }
0x25: {  	_ =	swait.ge [sflag:s8], $0x4000  }
0x26: {  	[sflag:s8] =	ssyncset.done $0x0  }
0x27: {  	s19 =	simm.s32 $0x3;
	s20 =	sadd.s32 $0x1800, s16;
	[sflag:s8] =	ssyncadd.s32 $0xFFFFC000  }
0x28: {  	[hbm4b:s20+s3] =	stream.linear.scatter [tilespmem:s15], [sflag:$0x3], $0x4000, $0x38;
	[tilespmem:$0x10400] =	vst v63  }
0x29: {  	s21 =	ssub.s32 $0x2, s21;
	_ =	swait.ge [sflag:s19], $0x4000  }
0x2a: {  	s22 =	sshrl.u32 s21, $0x1;
	[sflag:s19] =	ssyncset.done $0x0  }
0x2b: {  	s21 =	ssub.s32 s21, s22;
	[sflag:s19] =	ssyncadd.s32 $0xFFFFC000  }
0x2c: {  	s21 =	smax.u32 s21, $0x1;
	_ =	swait.ge [sflag:s19], $0x4000  }
0x2d: {  	s21 =	sadd.s32 $0xFFFFFFFF, s21;
	[sflag:s19] =	ssyncset.done $0x0  }
0x2e: {  	p1 =	sne.s32 s21, $0x0;
	[sflag:s19] =	ssyncadd.s32 $0xFFFFC000  }
.Ltmp0:
0x2f: {  	_ =	swait.ge [sflag:s19], $0x4000;
	(pc) =	sbr.rel @!p1 .LBB2_2-.Ltmp0, $4  }
0x30: {  	[sflag:s19] =	ssyncset.done $0x0  }
0x31: {  	[sflag:s19] =	ssyncadd.s32 $0xFFFFC000  }
0x32: {  	_ =	swait.ge [sflag:s19], $0x4000  }
0x33: {  	[sflag:s19] =	ssyncset.done $0x0  }
.LBB2_1:
0x34: {  	[sflag:s19] =	ssyncadd.s32 $0xFFFFC000  }
0x35: {  	[tilespmem:s3], [sflag:$0x2] =	stream.linear.gather [hbm4b:s4+s3], $0x200, $0x38;
	[tilespmem:$0x10400] =	vst v63  }
0x36: {  	[spmem:s5], [sflag:s6] =	dma.local @!p0 [hbm:s0], $0x400  }
0x37: {  	s21 =	sadd.s32 $0xFFFFFFFF, s21;
	_ =	swait.ge @!p0 [sflag:s7], $0x400  }
0x38: {  	p1 =	sne.s32 s21, $0x0;
	[sflag:s7] =	ssyncset.done @!p0 $0x0  }
0x39: {  	[sflag:s7] =	ssyncadd.s32 @!p0 $0xFFFFFC00  }
0x3a: {  	_ =	swait.ge [sflag:s8], $0x200  }
0x3b: {  	[sflag:s8] =	ssyncset.done $0x0  }
0x3c: {  	[sflag:s8] =	ssyncadd.s32 $0xFFFFFE00  }
0x3d: {  	[bflag:$0x0] =	sbarrier.arrive $0xFFFF  }
0x3e: {  	[tilespmem:s10], [sflag:$0x2] =	stream.indirect.gather [spmem:s2], $0x80, s3, s9, $0xb8;
	[tilespmem:$0x10400] =	vst v63  }
0x3f: {  	_ = 	snop  }
0x40: {  	[tilespmem:s11], [sflag:$0x2] =	stream.indirect.gather [spmem:s2], $0x80, s9, s9, $0xb8;
	[tilespmem:$0x10400] =	vst v63  }
0x41: {  	_ = 	snop  }
0x42: {  	[tilespmem:s13], [sflag:$0x2] =	stream.indirect.gather [spmem:s2], $0x80, s12, s9, $0xb8;
	[tilespmem:$0x10400] =	vst v63  }
0x43: {  	_ = 	snop  }
0x44: {  	[tilespmem:s15], [sflag:$0x2] =	stream.indirect.gather [spmem:s2], $0x80, s14, s9, $0xb8;
	[tilespmem:$0x10400] =	vst v63  }
0x45: {  	_ =	swait.ge [sflag:s8], $0x4000  }
0x46: {  	[sflag:s8] =	ssyncset.done $0x0  }
0x47: {  	[sflag:s8] =	ssyncadd.s32 $0xFFFFC000  }
0x48: {  	[hbm4b:s16+s3] =	stream.linear.scatter [tilespmem:s10], [sflag:$0x3], $0x4000, $0x38;
	[tilespmem:$0x10400] =	vst v63  }
0x49: {  	_ =	swait.ge [sflag:s8], $0x4000  }
0x4a: {  	[sflag:s8] =	ssyncset.done $0x0  }
0x4b: {  	[sflag:s8] =	ssyncadd.s32 $0xFFFFC000  }
0x4c: {  	[hbm4b:s17+s3] =	stream.linear.scatter [tilespmem:s11], [sflag:$0x3], $0x4000, $0x38;
	[tilespmem:$0x10400] =	vst v63  }
0x4d: {  	_ =	swait.ge [sflag:s8], $0x4000  }
0x4e: {  	[sflag:s8] =	ssyncset.done $0x0  }
0x4f: {  	[sflag:s8] =	ssyncadd.s32 $0xFFFFC000  }
0x50: {  	[hbm4b:s18+s3] =	stream.linear.scatter [tilespmem:s13], [sflag:$0x3], $0x4000, $0x38;
	[tilespmem:$0x10400] =	vst v63  }
0x51: {  	_ =	swait.ge [sflag:s8], $0x4000  }
0x52: {  	[sflag:s8] =	ssyncset.done $0x0  }
0x53: {  	[sflag:s8] =	ssyncadd.s32 $0xFFFFC000  }
0x54: {  	[hbm4b:s20+s3] =	stream.linear.scatter [tilespmem:s15], [sflag:$0x3], $0x4000, $0x38;
	[tilespmem:$0x10400] =	vst v63  }
0x55: {  	_ =	swait.ge [sflag:s19], $0x4000  }
0x56: {  	[sflag:s19] =	ssyncset.done $0x0  }
0x57: {  	[sflag:s19] =	ssyncadd.s32 $0xFFFFC000  }
0x58: {  	_ =	swait.ge [sflag:s19], $0x4000  }
0x59: {  	[sflag:s19] =	ssyncset.done $0x0  }
0x5a: {  	[sflag:s19] =	ssyncadd.s32 $0xFFFFC000  }
.Ltmp1:
0x5b: {  	_ =	swait.ge [sflag:s19], $0x4000;
	(pc) =	sbr.rel @p1 .LBB2_1-.Ltmp1, $4  }
0x5c: {  	[sflag:s19] =	ssyncset.done $0x0  }
0x5d: {  	[sflag:s19] =	ssyncadd.s32 $0xFFFFC000  }
0x5e: {  	_ =	swait.ge [sflag:s19], $0x4000  }
0x5f: {  	[sflag:s19] =	ssyncset.done $0x0  }
.LBB2_2:
0x60: {  	[sflag:s19] =	ssyncadd.s32 $0xFFFFC000  }
0x61: {  	_ =	sfence.sel $0x180000  }
0x62: {  	[bflag:$0x0] =	sbarrier.arrive $0xFFFF  }
0x63: {  	_ =	strace $0x90000047  }
0x64: {  	s0 =	sadd.s32 @!p0 $0x100000, s1;
	[bflag:$0x2] =	sbarrier.arrive $0xFFFF  }
0x65: {  	[sflag:s0] =	ssyncadd.tile.s32 @!p0 $0x1;
	_ =	shalt  }
.Lfunc_end2:
_tile_overlayer_lowered:
.L_overlay_start_2:
0x66: {  	(tag) =	ssettag $0x2  }
0x67: {  	s0 =	rddreg [dreg:$0x0];
	s2 =	stileid.u32  }
0x68: {  	s1 =	rddreg [dreg:$0x1];
	p0 =	sne.s32 s2, $0x0  }
0x69: {  	s3 =	rddreg [dreg:$0x2];
	[bflag:$0x3] =	sbarrier.arrive $0xFFFF;
	s2 =	simm.s32 @!p0 $0x1C04  }
0x6a: {  	[timem:s3], [sflag:s2] =	dma.local @!p0 [hbm:s0], s1  }
0x6b: {  	s0 =	simm.s32 @!p0 $0x4  }
0x6c: {  	_ =	swait.ge @!p0 [sflag:s0], s1  }
0x6d: {  	s1 =	ssub.s32 @!p0 $0x0, s1;
	[sflag:s0] =	ssyncset.done @!p0 $0x0  }
0x6e: {  	[sflag:s0] =	ssyncadd.s32 @!p0 s1  }
0x6f: {  	[bflag:$0x3] =	sbarrier.arrive $0xFFFF  }
0x70: {  	_ =	shalt  }

</sc_bundles>
